<compile_context>
chip_gen: v7x
topology: tpu7x:2x2x1
jax: 0.10.2.dev20260603
libtpu: 0.0.44.dev20260713+nightly
codegen_flags: <defaults>
</compile_context>

<pallas_src>
import functools

import jax
import jax.numpy as jnp
from jax import lax
from jax.experimental import pallas as pl
from jax.experimental.pallas import tpu as pltpu
from jax.experimental.pallas import tpu_sc as plsc

_BATCH = 64
_SEQ = 20
_D = 49152
_N = _BATCH * _SEQ
_NC = 2
_NS = 16
_NW = _NC * _NS
_RPW = _N // _NW

_mesh = plsc.VectorSubcoreMesh(core_axis_name="c", subcore_axis_name="s")


@functools.partial(
    pl.kernel,
    out_type=jax.ShapeDtypeStruct((_N, _D), jnp.float32),
    mesh=_mesh,
    scratch_types=[
        pltpu.VMEM((_RPW * 8,), jnp.int32),
        pltpu.VMEM((1, _D), jnp.float32),
        pltpu.VMEM((1, _D), jnp.float32),
        pltpu.SemaphoreType.DMA,
        pltpu.SemaphoreType.DMA,
        pltpu.SemaphoreType.DMA,
        pltpu.SemaphoreType.DMA,
    ],
)
def _sc_gather(idx_hbm, table_hbm, out_hbm, idx_v, buf0, buf1, g0, g1, s0, s1):
    wid = lax.axis_index("s") * _NC + lax.axis_index("c")
    base = wid * _RPW
    pltpu.sync_copy(idx_hbm.at[pl.ds(base * 8, _RPW * 8)], idx_v)

    def _idx(j):
        return idx_v.at[pl.ds(pl.multiple_of(8 * j, 8), 1)]

    def start_gather(j, buf, sem):
        pltpu.async_copy(table_hbm.at[_idx(j)], buf, sem)

    def wait_gather(j, buf, sem):
        pltpu.make_async_copy(table_hbm.at[_idx(j)], buf, sem).wait()

    def start_scatter(j, buf, sem):
        pltpu.async_copy(buf, out_hbm.at[pl.ds(base + j, 1)], sem)

    def wait_scatter(j, buf, sem):
        pltpu.make_async_copy(buf, out_hbm.at[pl.ds(base + j, 1)], sem).wait()

    start_gather(0, buf0, g0)

    def body(t, carry):
        j0 = 2 * t
        j1 = j0 + 1
        wait_gather(j0, buf0, g0)
        start_scatter(j0, buf0, s0)

        @pl.when(t > 0)
        def _():
            wait_scatter(j1 - 2, buf1, s1)

        start_gather(j1, buf1, g1)
        wait_gather(j1, buf1, g1)
        start_scatter(j1, buf1, s1)
        wait_scatter(j0, buf0, s0)

        @pl.when(t < _RPW // 2 - 1)
        def _():
            start_gather(j0 + 2, buf0, g0)

        return carry

    lax.fori_loop(0, _RPW // 2, body, 0)
    wait_scatter(_RPW - 1, buf1, s1)


def kernel(prefix, embedding_table):
    idx_flat = prefix.reshape(_N).astype(jnp.int32)
    idx8 = jnp.repeat(idx_flat, 8)
    out = _sc_gather(idx8, embedding_table)
    return out.reshape(_BATCH, _SEQ, _D)

# --- scband reference (transcript-rebuilt; emitter-appended) ---
"""Pipeline reference for scband-prefix-encoder-29240137351556 (READ-ONLY COPY).

The authoritative reference and input builder live on the scoring server;
editing this copy changes nothing except your own understanding.
"""

import jax, jax.numpy as jnp
import numpy as np

PRE_SEQ_LEN = 20
HIDDEN_SIZE = 1024
NUM_LAYERS = 24
EMB_DIM = 2 * NUM_LAYERS * HIDDEN_SIZE  # 49152
BATCH = 64

def setup_inputs(seed: int = 0) -> dict:
    key = jax.random.key(seed)
    k1, k2 = jax.random.split(key)
    prefix = jax.random.randint(k1, (BATCH, PRE_SEQ_LEN), 0, PRE_SEQ_LEN, dtype=jnp.int64 if jax.config.jax_enable_x64 else jnp.int32)
    embedding_table = jax.random.normal(k2, (PRE_SEQ_LEN, EMB_DIM), dtype=jnp.float32)
    return {"prefix": prefix, "embedding_table": embedding_table}

def reference(prefix, embedding_table):
    # prefix_projection is False (prefix_hidden_size == 0):
    # past_key_values = self.embedding(prefix)
    past_key_values = jnp.take(embedding_table, prefix, axis=0)
    return past_key_values

if __name__ == "__main__":
    import jax
    _d = setup_inputs()
    print(jax.jit(kernel)(*tuple(_d.values())))

</pallas_src>

<mosaic_0001>
#map = affine_map<(d0, d1) -> (0)>
#map1 = affine_map<(d0, d1) -> (0, 0)>
module attributes {stable_mosaic.version = 14 : i64} {
  func.func @_sc_gather(%arg0: i32, %arg1: i32, %arg2: memref<10240xi32, #tpu.memory_space<hbm>>, %arg3: memref<20x49152xf32, #tpu.memory_space<hbm>>, %arg4: memref<1280x49152xf32, #tpu.memory_space<hbm>>, %arg5: memref<320xi32, #tpu.memory_space<vmem>>, %arg6: memref<1x49152xf32, #tpu.memory_space<vmem>>, %arg7: memref<1x49152xf32, #tpu.memory_space<vmem>>, %arg8: memref<!tpu.dma_semaphore, #tpu.memory_space<semaphore_mem>>, %arg9: memref<!tpu.dma_semaphore, #tpu.memory_space<semaphore_mem>>, %arg10: memref<!tpu.dma_semaphore, #tpu.memory_space<semaphore_mem>>, %arg11: memref<!tpu.dma_semaphore, #tpu.memory_space<semaphore_mem>>) attributes {dimension_semantics = [#tpu.dimension_semantics<core_parallel>, #tpu.dimension_semantics<subcore_parallel>], iteration_bounds = array<i64: 2, 16>, scalar_prefetch = 0 : i64, scratch_operands = 7 : i64, tpu.core_type = #tpu.core_type<sc_vector_subcore>, window_params = [{transform_indices = #map}, {transform_indices = #map1}, {transform_indices = #map1}]} {
    %mul3A = arith.constant 2 : i32
    %mul3A_0 = arith.muli %arg1, %mul3A : i32
    %add3A = arith.addi %mul3A_0, %arg0 : i32
    %mul3A_1 = arith.constant 40 : i32
    %mul3A_2 = arith.muli %add3A, %mul3A_1 : i32
    %mul3A_3 = arith.constant 8 : i32
    %mul3A_4 = arith.muli %mul3A_2, %mul3A_3 : i32
    "tpu.region"() ({
      %run_scoped3A = tpu.sem_alloc : memref<!tpu.dma_semaphore, #tpu.memory_space<semaphore_mem>>
      %dma_start3A_19 = tpu.memref_slice %arg2[%mul3A_4] : memref<10240xi32, #tpu.memory_space<hbm>> -> memref<320xi32, #tpu.memory_space<hbm>>
      %dma_start3A_20 = tpu.memref_slice %arg2[%mul3A_4] : memref<10240xi32, #tpu.memory_space<hbm>> -> memref<320xi32, #tpu.memory_space<hbm>>
      tpu.enqueue_dma source(%dma_start3A_20 : memref<320xi32, #tpu.memory_space<hbm>>) target(%arg5 : memref<320xi32, #tpu.memory_space<vmem>>) target_semaphore(%run_scoped3A : memref<!tpu.dma_semaphore, #tpu.memory_space<semaphore_mem>>)
      %dma_wait3A_21 = tpu.memref_slice %arg2[%mul3A_4] : memref<10240xi32, #tpu.memory_space<hbm>> -> memref<320xi32, #tpu.memory_space<hbm>>
      %dma_wait3A_22 = tpu.memref_slice %arg2[%mul3A_4] : memref<10240xi32, #tpu.memory_space<hbm>> -> memref<320xi32, #tpu.memory_space<hbm>>
      tpu.wait_dma2 semaphore(%run_scoped3A : memref<!tpu.dma_semaphore, #tpu.memory_space<semaphore_mem>>) src(%dma_wait3A_22 : memref<320xi32, #tpu.memory_space<hbm>>) dst(%arg5 : memref<320xi32, #tpu.memory_space<vmem>>)
      tpu.yield
    }) : () -> ()
    %multiple_of3A = arith.constant 0 : i32
    %multiple_of3A_5 = tpu.assume_multiple %multiple_of3A, 8 : i32
    %dma_start3A = tpu.memref_slice %arg5[%multiple_of3A_5] : memref<320xi32, #tpu.memory_space<vmem>> -> memref<1xi32, #tpu.memory_space<vmem>>
    %dma_start3A_6 = arith.constant 0 : i32
    %dma_start3A_7 = arith.constant 0 : i32
    %dma_start3A_8 = tpu.memref_slice %arg3[%dma_start3A_6, %dma_start3A_7] : memref<20x49152xf32, #tpu.memory_space<hbm>> -> memref<20x49152xf32, #tpu.memory_space<hbm>>
    tpu.enqueue_indirect_dma source(%dma_start3A_8 : memref<20x49152xf32, #tpu.memory_space<hbm>>) target(%arg6 : memref<1x49152xf32, #tpu.memory_space<vmem>>) offsets(%dma_start3A : memref<1xi32, #tpu.memory_space<vmem>>) semaphore(%arg8 : memref<!tpu.dma_semaphore, #tpu.memory_space<semaphore_mem>>)
    %scan3A = arith.constant 0 : i32
    %scan3A_9 = arith.constant 0 : i32
    %scan3A_10 = arith.constant 20 : i32
    %scan3A_11 = arith.addi %scan3A_9, %scan3A_10 : i32
    %scan3A_12 = arith.constant 1 : i32
    scf.for %scan3A_19 = %scan3A_9 to %scan3A_11 step %scan3A_12  : i32 {
      %mul3A_20 = arith.constant 2 : i32
      %mul3A_21 = arith.muli %mul3A_20, %scan3A_19 : i32
      %add3A_22 = arith.constant 1 : i32
      %add3A_23 = arith.addi %mul3A_21, %add3A_22 : i32
      %mul3A_24 = arith.constant 8 : i32
      %mul3A_25 = arith.muli %mul3A_24, %mul3A_21 : i32
      %multiple_of3A_26 = tpu.assume_multiple %mul3A_25, 8 : i32
      %dma_wait3A_27 = tpu.memref_slice %arg5[%multiple_of3A_26] : memref<320xi32, #tpu.memory_space<vmem>> -> memref<1xi32, #tpu.memory_space<vmem>>
      %dma_wait3A_28 = arith.constant 0 : i32
      %dma_wait3A_29 = arith.constant 0 : i32
      %dma_wait3A_30 = tpu.memref_slice %arg3[%dma_wait3A_28, %dma_wait3A_29] : memref<20x49152xf32, #tpu.memory_space<hbm>> -> memref<20x49152xf32, #tpu.memory_space<hbm>>
      tpu.wait_indirect_dma semaphore(%arg8 : memref<!tpu.dma_semaphore, #tpu.memory_space<semaphore_mem>>) src(%dma_wait3A_30 : memref<20x49152xf32, #tpu.memory_space<hbm>>) dst(%arg6 : memref<1x49152xf32, #tpu.memory_space<vmem>>)
      %add3A_31 = arith.addi %mul3A_2, %mul3A_21 : i32
      %dma_start3A_32 = arith.constant 0 : i32
      %dma_start3A_33 = tpu.memref_slice %arg4[%add3A_31, %dma_start3A_32] : memref<1280x49152xf32, #tpu.memory_space<hbm>> -> memref<1x49152xf32, #tpu.memory_space<hbm>>
      %dma_start3A_34 = arith.constant 0 : i32
      %dma_start3A_35 = tpu.memref_slice %arg4[%add3A_31, %dma_start3A_34] : memref<1280x49152xf32, #tpu.memory_space<hbm>> -> memref<1x49152xf32, #tpu.memory_space<hbm>>
      tpu.enqueue_dma source(%arg6 : memref<1x49152xf32, #tpu.memory_space<vmem>>) target(%dma_start3A_35 : memref<1x49152xf32, #tpu.memory_space<hbm>>) target_semaphore(%arg10 : memref<!tpu.dma_semaphore, #tpu.memory_space<semaphore_mem>>)
      %gt3A = arith.constant 0 : i32
      %gt3A_36 = arith.cmpi sgt, %scan3A_19, %gt3A : i32
      %convert_element_type3A = arith.extui %gt3A_36 : i1 to i32
      %cond3A = arith.constant 0 : i32
      %cond3A_37 = arith.cmpi ne, %convert_element_type3A, %cond3A : i32
      scf.if %cond3A_37 {
        %sub3A = arith.constant 2 : i32
        %sub3A_66 = arith.subi %add3A_23, %sub3A : i32
        %add3A_67 = arith.addi %mul3A_2, %sub3A_66 : i32
        %dma_wait3A_68 = arith.constant 0 : i32
        %dma_wait3A_69 = tpu.memref_slice %arg4[%add3A_67, %dma_wait3A_68] : memref<1280x49152xf32, #tpu.memory_space<hbm>> -> memref<1x49152xf32, #tpu.memory_space<hbm>>
        %dma_wait3A_70 = arith.constant 0 : i32
        %dma_wait3A_71 = tpu.memref_slice %arg4[%add3A_67, %dma_wait3A_70] : memref<1280x49152xf32, #tpu.memory_space<hbm>> -> memref<1x49152xf32, #tpu.memory_space<hbm>>
        tpu.wait_dma2 semaphore(%arg11 : memref<!tpu.dma_semaphore, #tpu.memory_space<semaphore_mem>>) src(%arg7 : memref<1x49152xf32, #tpu.memory_space<vmem>>) dst(%dma_wait3A_71 : memref<1x49152xf32, #tpu.memory_space<hbm>>)
      } else {
      }
      %mul3A_38 = arith.constant 8 : i32
      %mul3A_39 = arith.muli %mul3A_38, %add3A_23 : i32
      %multiple_of3A_40 = tpu.assume_multiple %mul3A_39, 8 : i32
      %dma_start3A_41 = tpu.memref_slice %arg5[%multiple_of3A_40] : memref<320xi32, #tpu.memory_space<vmem>> -> memref<1xi32, #tpu.memory_space<vmem>>
      %dma_start3A_42 = arith.constant 0 : i32
      %dma_start3A_43 = arith.constant 0 : i32
      %dma_start3A_44 = tpu.memref_slice %arg3[%dma_start3A_42, %dma_start3A_43] : memref<20x49152xf32, #tpu.memory_space<hbm>> -> memref<20x49152xf32, #tpu.memory_space<hbm>>
      tpu.enqueue_indirect_dma source(%dma_start3A_44 : memref<20x49152xf32, #tpu.memory_space<hbm>>) target(%arg7 : memref<1x49152xf32, #tpu.memory_space<vmem>>) offsets(%dma_start3A_41 : memref<1xi32, #tpu.memory_space<vmem>>) semaphore(%arg9 : memref<!tpu.dma_semaphore, #tpu.memory_space<semaphore_mem>>)
      %mul3A_45 = arith.constant 8 : i32
      %mul3A_46 = arith.muli %mul3A_45, %add3A_23 : i32
      %multiple_of3A_47 = tpu.assume_multiple %mul3A_46, 8 : i32
      %dma_wait3A_48 = tpu.memref_slice %arg5[%multiple_of3A_47] : memref<320xi32, #tpu.memory_space<vmem>> -> memref<1xi32, #tpu.memory_space<vmem>>
      %dma_wait3A_49 = arith.constant 0 : i32
      %dma_wait3A_50 = arith.constant 0 : i32
      %dma_wait3A_51 = tpu.memref_slice %arg3[%dma_wait3A_49, %dma_wait3A_50] : memref<20x49152xf32, #tpu.memory_space<hbm>> -> memref<20x49152xf32, #tpu.memory_space<hbm>>
      tpu.wait_indirect_dma semaphore(%arg9 : memref<!tpu.dma_semaphore, #tpu.memory_space<semaphore_mem>>) src(%dma_wait3A_51 : memref<20x49152xf32, #tpu.memory_space<hbm>>) dst(%arg7 : memref<1x49152xf32, #tpu.memory_space<vmem>>)
      %add3A_52 = arith.addi %mul3A_2, %add3A_23 : i32
      %dma_start3A_53 = arith.constant 0 : i32
      %dma_start3A_54 = tpu.memref_slice %arg4[%add3A_52, %dma_start3A_53] : memref<1280x49152xf32, #tpu.memory_space<hbm>> -> memref<1x49152xf32, #tpu.memory_space<hbm>>
      %dma_start3A_55 = arith.constant 0 : i32
      %dma_start3A_56 = tpu.memref_slice %arg4[%add3A_52, %dma_start3A_55] : memref<1280x49152xf32, #tpu.memory_space<hbm>> -> memref<1x49152xf32, #tpu.memory_space<hbm>>
      tpu.enqueue_dma source(%arg7 : memref<1x49152xf32, #tpu.memory_space<vmem>>) target(%dma_start3A_56 : memref<1x49152xf32, #tpu.memory_space<hbm>>) target_semaphore(%arg11 : memref<!tpu.dma_semaphore, #tpu.memory_space<semaphore_mem>>)
      %add3A_57 = arith.addi %mul3A_2, %mul3A_21 : i32
      %dma_wait3A_58 = arith.constant 0 : i32
      %dma_wait3A_59 = tpu.memref_slice %arg4[%add3A_57, %dma_wait3A_58] : memref<1280x49152xf32, #tpu.memory_space<hbm>> -> memref<1x49152xf32, #tpu.memory_space<hbm>>
      %dma_wait3A_60 = arith.constant 0 : i32
      %dma_wait3A_61 = tpu.memref_slice %arg4[%add3A_57, %dma_wait3A_60] : memref<1280x49152xf32, #tpu.memory_space<hbm>> -> memref<1x49152xf32, #tpu.memory_space<hbm>>
      tpu.wait_dma2 semaphore(%arg10 : memref<!tpu.dma_semaphore, #tpu.memory_space<semaphore_mem>>) src(%arg6 : memref<1x49152xf32, #tpu.memory_space<vmem>>) dst(%dma_wait3A_61 : memref<1x49152xf32, #tpu.memory_space<hbm>>)
      %lt3A = arith.constant 19 : i32
      %lt3A_62 = arith.cmpi slt, %scan3A_19, %lt3A : i32
      %convert_element_type3A_63 = arith.extui %lt3A_62 : i1 to i32
      %cond3A_64 = arith.constant 0 : i32
      %cond3A_65 = arith.cmpi ne, %convert_element_type3A_63, %cond3A_64 : i32
      scf.if %cond3A_65 {
        %add3A_66 = arith.constant 2 : i32
        %add3A_67 = arith.addi %mul3A_21, %add3A_66 : i32
        %mul3A_68 = arith.constant 8 : i32
        %mul3A_69 = arith.muli %mul3A_68, %add3A_67 : i32
        %multiple_of3A_70 = tpu.assume_multiple %mul3A_69, 8 : i32
        %dma_start3A_71 = tpu.memref_slice %arg5[%multiple_of3A_70] : memref<320xi32, #tpu.memory_space<vmem>> -> memref<1xi32, #tpu.memory_space<vmem>>
        %dma_start3A_72 = arith.constant 0 : i32
        %dma_start3A_73 = arith.constant 0 : i32
        %dma_start3A_74 = tpu.memref_slice %arg3[%dma_start3A_72, %dma_start3A_73] : memref<20x49152xf32, #tpu.memory_space<hbm>> -> memref<20x49152xf32, #tpu.memory_space<hbm>>
        tpu.enqueue_indirect_dma source(%dma_start3A_74 : memref<20x49152xf32, #tpu.memory_space<hbm>>) target(%arg6 : memref<1x49152xf32, #tpu.memory_space<vmem>>) offsets(%dma_start3A_71 : memref<1xi32, #tpu.memory_space<vmem>>) semaphore(%arg8 : memref<!tpu.dma_semaphore, #tpu.memory_space<semaphore_mem>>)
      } else {
      }
    }
    %scan3A_13 = arith.constant 20 : i32
    %add3A_14 = arith.constant 39 : i32
    %add3A_15 = arith.addi %mul3A_2, %add3A_14 : i32
    %dma_wait3A = arith.constant 0 : i32
    %dma_wait3A_16 = tpu.memref_slice %arg4[%add3A_15, %dma_wait3A] : memref<1280x49152xf32, #tpu.memory_space<hbm>> -> memref<1x49152xf32, #tpu.memory_space<hbm>>
    %dma_wait3A_17 = arith.constant 0 : i32
    %dma_wait3A_18 = tpu.memref_slice %arg4[%add3A_15, %dma_wait3A_17] : memref<1280x49152xf32, #tpu.memory_space<hbm>> -> memref<1x49152xf32, #tpu.memory_space<hbm>>
    tpu.wait_dma2 semaphore(%arg11 : memref<!tpu.dma_semaphore, #tpu.memory_space<semaphore_mem>>) src(%arg7 : memref<1x49152xf32, #tpu.memory_space<vmem>>) dst(%dma_wait3A_18 : memref<1x49152xf32, #tpu.memory_space<hbm>>)
    return
  }
}

</mosaic_0001>

<sc_bundles>
// kernel: kernel.3.cloned.1.call-start
scs
__scs_entry_jumppad:
0x0: {  	(pc) =	sbr.rel $0x88, $3  }
0x1: {  	(tag) =	ssettag $0x0;
	lr =	simm.s32 $0x1  }
0x2: {  	[smem:$0x3F9F] =	sst lr;
	_ =	strace $0xD0000000  }
0x3: {  	_ = 	snop  }
0x4: {  	_ = 	snop  }
0x5: {  	_ = 	snop  }
0x6: {  	_ = 	snop  }
0x7: {  	_ = 	snop  }
__scs_overlays_trampoline_lowered:
0x8: {  	[smem:$0x3FAE] =	sst s0  }
0x9: {  	[smem:$0x3FAF] =	sst s1  }
0xa: {  	[smem:$0x3FB0] =	sst s2  }
0xb: {  	[smem:$0x3FB1] =	sst s3  }
0xc: {  	[smem:$0x3FB2] =	sst s4  }
0xd: {  	[smem:$0x3FB3] =	sst s5  }
0xe: {  	[smem:$0x3FB4] =	sst s6  }
0xf: {  	[smem:$0x3FB5] =	sst s7  }
0x10: {  	[smem:$0x3FB6] =	sst s8  }
0x11: {  	[smem:$0x3FB7] =	sst s9;
	s0 =	simm.s32 @!p0 $0x0  }
0x12: {  	s1 =	sld [smem:$0x3F9D];
	s0 =	simm.s32 @p0 $0x1  }
0x13: {  	[smem:$0x3FB8] =	sst s0;
	s0 =	simm.s32 @!p1 $0x0  }
0x14: {  	s2 =	sld [smem:$0x3F9C];
	s0 =	simm.s32 @p1 $0x1  }
0x15: {  	[smem:$0x3FB9] =	sst s0;
	s0 =	simm.s32 @!p2 $0x0  }
0x16: {  	s3 =	sld [smem:$0x3FDB];
	s0 =	simm.s32 @p2 $0x1  }
0x17: {  	s4 =	simm.s32 $0x1BF5;
	[smem:$0x3FBB] =	sst s0  }
0x18: {  	s0 =	sld [smem:$0x3F9E];
	_ =	swait.ge [sflag:s4], $0x0  }
0x19: {  	s7 =	sld [smem:$0x3F9F]  }
0x1a: {  	s8 =	sadd.s32 $0xFFFFE003, lr  }
0x1b: {  	s9 =	sadd.s32 $0xFFFFFEF7, lr;
	s5 =	simm.s32 $0xFFFFFFFF;
	p2 =	slt.u32 s8, $0xFFFFF086  }
0x1c: {  	p1 =	slt.u32 s9, $0xF7A;
	s5 =	simm.s32 @!p2 $0x0  }
0x1d: {  	s5 =	simm.s32 @p1 $0x1;
	p0 =	seq.s32 s7, s2  }
0x1e: {  	s7 =	smul.u32 @!p0 $0xF7A, s2;
	p2 =	seq.s32 @!p0 s5, $0x0  }
0x1f: {  	s9 =	smul.u32 $0xF7A, s1;
	s8 =	simm.s32 @!p0 $0x1BF5;
	p2 =	por !p2, p0  }
0x20: {  	[sflag:s8] =	ssyncset.s32 @!p0 $0xFFFFF086;
	s6 =	sadd.s32 @!p0 s3, s7;
	s7 =	simm.s32 @!p0 $0x108  }
0x21: {  	s3 =	sadd.s32 s3, s9;
	s6 =	sadd.s32 @!p0 $0x88, s6;
	s7 =	simm.s32 @p2 $0x1082  }
0x22: {  	[simem:s7], [sflag:s8] =	dma.local @!p0 [hbm:s6], $0xF7A  }
0x23: {  	s9 =	sor.u32 $0xD0000000, s2;
	s6 =	simm.s32 $0x108;
	_ =	swait.ge @!p0 [sflag:s8], $0x0  }
0x24: {  	s3 =	sadd.s32 $0x88, s3;
	s6 =	simm.s32 @!p1 $0x1082;
	[sflag:s4] =	ssyncset.s32 $0xFFFFF086  }
0x25: {  	[simem:s6], [sflag:s4] =	dma.local [hbm:s3], $0xF7A  }
0x26: {  	[smem:$0x3F9F] =	sst s1;
	(tag) =	ssettag s2;
	_ =	strace s9  }
0x27: {  	s1 =	sld [smem:$0x3FAF]  }
0x28: {  	s2 =	sld [smem:$0x3FB0]  }
0x29: {  	s4 =	sld [smem:$0x3FB2]  }
0x2a: {  	p0 =	seq.s32 s5, $0x0;
	s5 =	sld [smem:$0x3FB3]  }
0x2b: {  	s6 =	sld [smem:$0x3FB4]  }
0x2c: {  	s7 =	sld [smem:$0x3FB5]  }
0x2d: {  	s3 =	simm.s32 $0x108;
	s8 =	sld [smem:$0x3FB6]  }
0x2e: {  	s3 =	simm.s32 @!p0 $0x1082;
	s9 =	sld [smem:$0x3FB7]  }
0x2f: {  	lr =	sadd.s32 s0, s3;
	s0 =	sld [smem:$0x3FAE]  }
0x30: {  	s3 =	sld [smem:$0x3FB1]  }
0x31: {  	[smem:$0x3FBA] =	sst s10  }
0x32: {  	s10 =	sld [smem:$0x3FB8];
	_ =	sdelay $0x3  }
0x33: {  	p0 =	seq.s32 s10, $0x1;
	s10 =	sld [smem:$0x3FBA];
	_ =	sdelay $0x3  }
0x34: {  	[smem:$0x3FBA] =	sst s10  }
0x35: {  	s10 =	sld [smem:$0x3FB9];
	_ =	sdelay $0x3  }
0x36: {  	p1 =	seq.s32 s10, $0x1;
	s10 =	sld [smem:$0x3FBA];
	_ =	sdelay $0x3  }
0x37: {  	[smem:$0x3FBA] =	sst s10  }
0x38: {  	s10 =	sld [smem:$0x3FBB]  }
0x39: {  	_ = 	snop;
	(pc) =	sbr.ind lr, $3  }
0x3a: {  	_ = 	snop  }
0x3b: {  	_ = 	snop  }
0x3c: {  	p2 =	seq.s32 s10, $0x1;
	s10 =	sld [smem:$0x3FBA]  }
0x3d: {  	_ =	shalt  }
0x3e: {  	_ =	shalt  }
0x3f: {  	_ =	shalt  }
0x40: {  	_ =	shalt  }
0x41: {  	_ =	shalt  }
0x42: {  	_ =	shalt  }
0x43: {  	_ =	shalt  }
0x44: {  	_ =	shalt  }
0x45: {  	_ =	shalt  }
0x46: {  	_ =	shalt  }
0x47: {  	_ =	shalt  }
0x48: {  	_ =	shalt  }
0x49: {  	_ =	shalt  }
0x4a: {  	_ =	shalt  }
0x4b: {  	_ =	shalt  }
0x4c: {  	_ =	shalt  }
0x4d: {  	_ =	shalt  }
0x4e: {  	_ =	shalt  }
0x4f: {  	_ =	shalt  }
0x50: {  	_ =	shalt  }
0x51: {  	_ =	shalt  }
0x52: {  	_ =	shalt  }
0x53: {  	_ =	shalt  }
0x54: {  	_ =	shalt  }
0x55: {  	_ =	shalt  }
0x56: {  	_ =	shalt  }
0x57: {  	_ =	shalt  }
0x58: {  	_ =	shalt  }
0x59: {  	_ =	shalt  }
0x5a: {  	_ =	shalt  }
0x5b: {  	_ =	shalt  }
0x5c: {  	_ =	shalt  }
0x5d: {  	_ =	shalt  }
0x5e: {  	_ =	shalt  }
0x5f: {  	_ =	shalt  }
0x60: {  	_ =	shalt  }
0x61: {  	_ =	shalt  }
0x62: {  	_ =	shalt  }
0x63: {  	_ =	shalt  }
0x64: {  	_ =	shalt  }
0x65: {  	_ =	shalt  }
0x66: {  	_ =	shalt  }
0x67: {  	_ =	shalt  }
0x68: {  	_ =	shalt  }
0x69: {  	_ =	shalt  }
0x6a: {  	_ =	shalt  }
0x6b: {  	_ =	shalt  }
0x6c: {  	_ =	shalt  }
0x6d: {  	_ =	shalt  }
0x6e: {  	_ =	shalt  }
0x6f: {  	_ =	shalt  }
0x70: {  	_ =	shalt  }
0x71: {  	_ =	shalt  }
0x72: {  	_ =	shalt  }
0x73: {  	_ =	shalt  }
0x74: {  	_ =	shalt  }
0x75: {  	_ =	shalt  }
0x76: {  	_ =	shalt  }
0x77: {  	_ =	shalt  }
0x78: {  	_ =	shalt  }
0x79: {  	_ =	shalt  }
0x7a: {  	_ =	shalt  }
0x7b: {  	_ =	shalt  }
0x7c: {  	_ =	shalt  }
0x7d: {  	_ =	shalt  }
0x7e: {  	_ =	shalt  }
0x7f: {  	_ =	shalt  }
0x80: {  	_ =	shalt  }
0x81: {  	_ =	shalt  }
0x82: {  	_ =	shalt  }
0x83: {  	_ =	shalt  }
0x84: {  	_ =	shalt  }
0x85: {  	_ =	shalt  }
0x86: {  	_ =	shalt  }
0x87: {  	_ =	shalt  }
.Lfunc_end0:
.L_simem_size_0:
called_computation.1_lowered:
.L_overlay_start_0:
0x88: {  	s2 =	sld [smem:$0x3FD9]  }
0x89: {  	s3 =	sld [smem:$0x3FFE];
	_ =	sdelay $0x1  }
0x8a: {  	s1 =	srdreg.scid  }
0x8b: {  	s0 =	sand.u32 $0x1, s1  }
0x8c: {  	s17 =	sshll.u32 s0, $0xA;
	s2 =	sadd.s32 s3, s2  }
0x8d: {  	s2 =	sadd.s32 s2, s17  }
0x8e: {  	[smem:$0x3FC6] =	sst s2  }
0x8f: {  	_ = 	snop  }
0x90: {  	s2 =	sld [smem:$0x3FC8]  }
0x91: {  	s18 =	sld [smem:$0x3FD0];
	(tm) =	ssettm $0x1  }
0x92: {  	s4 =	sld [smem:$0x3FFB];
	_ =	sdelay $0x3  }
0x93: {  	_ =	strace s4  }
0x94: {  	s4 =	sld [smem:$0x3FFC];
	_ =	sdelay $0x3  }
0x95: {  	_ =	strace s4  }
0x96: {  	s4 =	sld [smem:$0x3FFD];
	_ =	sdelay $0x3  }
0x97: {  	_ =	strace s4  }
0x98: {  	_ =	strace $0x8FFFFFFF  }
0x99: {  	s19 =	sld [smem:$0x3FDB];
	_ =	sdelay $0x1  }
0x9a: {  	s5 =	simm.s32 $_scs_section_size  }
0x9b: {  	s6 =	simm.s32 $_size__tile_overlayer_lowered;
	s7 =	simm.s32 $_tile_overlayer_lowered  }
0x9c: {  	s22 =	simm.s32 $0x1BFF;
	s21 =	sshll.u32 s7, $0x1;
	s4 =	sadd.s32 s5, s19  }
0x9d: {  	s8 =	simm.s32 $0x0;
	s20 =	sshll.u32 s6, $0x1;
	s6 =	sadd.s32 s21, s4  }
0x9e: {  	[timem:s8], [sflag:s22] =	dma.local [hbm:s6], s20  }
0x9f: {  	_ =	swait.ge [sflag:s22], s20  }
0xa0: {  	s5 =	ssub.s32 $0x0, s20;
	[sflag:s22] =	ssyncset.done $0x0  }
0xa1: {  	[sflag:s22] =	ssyncadd.s32 s5;
	_ =	sdelay $0x1  }
0xa2: {  	s23 =	simm.s32 $0x1B8B  }
0xa3: {  	_ =	swait.ge [sflag:s23], $0x1  }
0xa4: {  	[sflag:s23] =	ssyncset.done $0x0  }
0xa5: {  	s25 =	simm.s32 $0x1B8E;
	s24 =	sld [smem:$0x3FFE];
	[sflag:s23] =	ssyncadd.s32 $0xFFFFFFFF  }
0xa6: {  	s26 =	simm.s32 $execute0_lowered;
	[smem:$0x3FD2] =	sst s25  }
0xa7: {  	s6 =	sshll.u32 s26, $0x1;
	_ =	strace $0x80000046;
	[dreg:$0x1] =	wrdreg $0xFFFFFFFF  }
0xa8: {  	s28 =	simm.s32 $_size_execute0_lowered;
	s4 =	sadd.s32 s4, s6;
	[dreg:$0x0] =	wrdreg $0x0  }
0xa9: {  	s6 =	sshll.u32 s28, $0x1;
	[dreg:$0x2] =	wrdreg s4  }
0xaa: {  	[dreg:$0x3] =	wrdreg s6  }
0xab: {  	[dreg:$0x4] =	wrdreg $0xC0  }
0xac: {  	_ =	task [dreg:s8], $0x5FFFF  }
0xad: {  	[dreg:$0x1] =	wrdreg $0xFFFFFFFF  }
0xae: {  	[dreg:$0x0] =	wrdreg $0x60  }
0xaf: {  	[dreg:$0x2] =	wrdreg s24  }
0xb0: {  	[dreg:$0x3] =	wrdreg s2  }
0xb1: {  	[dreg:$0x4] =	wrdreg s18  }
0xb2: {  	[dreg:$0x5] =	wrdreg $0x9  }
0xb3: {  	_ =	task.clear_ibuf [dreg:s8], $0x6FFFF;
	_ =	strace $0x90000046  }
0xb4: {  	s29 =	simm.s32 $0x9;
	_ =	strace $0x80000048  }
0xb5: {  	_ =	swait.ge [sflag:s29], $0x1  }
0xb6: {  	[sflag:s29] =	ssyncadd.s32 $0xFFFFFFFF  }
0xb7: {  	_ =	strace $0x90000048  }
0xb8: {  	_ =	sfence  }
0xb9: {  	s30 =	sld [smem:$0x0];
	_ =	sdelay $0x2  }
0xba: {  	s31 =	sshll.u32 s1, $0xD;
	s1 =	sshrl.u32 s1, $0x2  }
0xbb: {  	s3 =	sand.u32 $0x4000, s31;
	s1 =	sadd.s32 s1, s30  }
0xbc: {  	s0 =	sor.u32 s3, s0;
	s1 =	sshll.u32 s1, $0x11  }
0xbd: {  	s0 =	sor.u32 s1, s0  }
0xbe: {  	s0 =	sadd.s32 $0x8F2B, s0  }
0xbf: {  	[sflag:s0] =	ssyncadd.remote.s32 $0x1  }
0xc0: {  	_ =	sfence.sel $0xFFFF  }
0xc1: {  	[dreg:$0x0] =	wrdreg $0xFFFFFFFF;
	(pc) =	sbr.abs _section_cstart, $3  }
0xc2: {  	[dreg:$0x1] =	wrdreg $0xFFFFFFFF  }
0xc3: {  	_ =	task.clear_ibuf [dreg:s8], $0x2FFFF;
	_ =	strace $0x9FFFFFFF  }
0xc4: {  	(tm) =	ssettm $0x7FFFFFFF  }
0xc5: {  	_ =	shalt  }
tec
execute0_lowered:
.L_overlay_start_1:
0x0: {  	(tag) =	ssettag $0x1  }
0x1: {  	s0 =	rddreg [dreg:$0x0]  }
0x2: {  	s23 =	rddreg [dreg:$0x1]  }
0x3: {  	s1 =	srdreg.scid;
	s16 =	stileid.u32  }
0x4: {  	s4 =	simm.s32 $0x0;
	s17 =	simm.s32 $0x180;
	s25 =	simm.s32 $0x0  }
0x5: {  	s1 =	sand.u32 $0x1, s1;
	s2 =	sshll.u32 s16, $0x1;
	[smem:$0x7FF] =	sst s4  }
0x6: {  	s6 =	sadd.s32 $0x1000, s23;
	s7 =	sadd.s32 $0x1800, s23;
	s8 =	sadd.s32 $0x2000, s23  }
0x7: {  	s9 =	sadd.s32 $0x2800, s23;
	s10 =	sadd.s32 $0x3000, s23;
	s11 =	sadd.s32 $0x3800, s23  }
0x8: {  	s12 =	sadd.s32 $0x4000, s23;
	s13 =	sadd.s32 $0x4800, s23;
	s14 =	sadd.s32 $0x5000, s23  }
0x9: {  	s30 =	smul.u32 $0x50, s16;
	s15 =	sadd.s32 $0x5800, s23;
	s16 =	sadd.s32 $0x6000, s23  }
0xa: {  	s20 =	sadd.s32 $0x6800, s23;
	s21 =	sadd.s32 $0x7000, s23;
	s24 =	sadd.s32 $0x8000, s23  }
0xb: {  	s18 =	sadd.s32 $0x9800, s23;
	s19 =	sadd.s32 $0xA000, s23;
	s26 =	sadd.s32 $0xA800, s23  }
0xc: {  	s28 =	sadd.s32 $0xB000, s23;
	_ =	strace $0x80000047;
	[dreg:$0x8] =	wrdreg s18  }
0xd: {  	s2 =	sor.u32 s1, s2;
	s3 =	ssub.s32 $0x2, s1;
	[dreg:$0x9] =	wrdreg s19  }
0xe: {  	s1 =	smul.u32 $0x28, s1;
	[dreg:$0xa] =	wrdreg s26;
	s5 =	sshrl.u32 s3, $0x1  }
0xf: {  	[dreg:$0xb] =	wrdreg s28;
	s2 =	smul.u32 $0x28, s2;
	s29 =	ssub.s32 s3, s5  }
.Ltmp0:
0x10: {  	[dreg:$0xd] =	wrdreg s24;
	s31 =	smax.u32 s29, $0x1;
	(pc) =	sbr.rel .LBB2_1-.Ltmp0, $4  }
0x11: {  	s0 =	sadd.s32 s2, s0;
	s2 =	sadd.s32 $0xB800, s23;
	[dreg:$0x6] =	wrdreg s31  }
0x12: {  	s22 =	sadd.s32 $0x7800, s23;
	s0 =	sadd.s32 $0x800, s0;
	[dreg:$0xc] =	wrdreg s2  }
0x13: {  	v1 =	vlaneseq.u32;
	s5 =	sadd.s32 $0x800, s23;
	[dreg:$0x4] =	wrdreg s0;
	s0 =	sadd.s32 s1, s30  }
0x14: {  	v0 =	vimm.s32 $0x0;
	vm0 =	vmmov $0xffff;
	v1 =	vmul.u32 $0x8, v1;
	s3 =	sadd.s32 $0x8800, s23;
	s1 =	sadd.s32 $0x9000, s23;
	[dreg:$0x5] =	wrdreg s0  }
.LBB2_4:
0x15: {  	s1 =	simm.s32 $0x4;
	s23 =	smov.u32 s6;
	s5 =	smov.u32 s8  }
0x16: {  	s6 =	smov.u32 s9;
	s7 =	smov.u32 s10;
	_ =	swait.ge [sflag:s1], $0xC000  }
0x17: {  	s8 =	smov.u32 s11;
	s9 =	smov.u32 s12;
	s25 =	rddreg [dreg:$0x7]  }
0x18: {  	s10 =	smov.u32 s13;
	s0 =	rddreg [dreg:$0x6];
	s25 =	sadd.s32 $0x1, s25  }
0x19: {  	s11 =	smov.u32 s14;
	s12 =	smov.u32 s15;
	p0 =	sne.s32 s25, s0  }
.Ltmp1:
0x1a: {  	s13 =	smov.u32 s16;
	s14 =	smov.u32 s24;
	(pc) =	sbr.rel @!p0 .LBB2_5-.Ltmp1, $4  }
0x1b: {  	s15 =	smov.u32 s18;
	s16 =	smov.u32 s19;
	s24 =	rddreg [dreg:$0xd]  }
0x1c: {  	s19 =	smov.u32 s29;
	s28 =	smov.u32 s30;
	s18 =	rddreg [dreg:$0x8]  }
0x1d: {  	s17 =	simm.s32 $0x180;
	[sflag:s1] =	ssyncset.done $0x0;
	s2 =	rddreg [dreg:$0xc]  }
0x1e: {  	[sflag:s1] =	ssyncadd.s32 $0xFFFF4000;
	s1 =	smov.u32 s26;
	s26 =	rddreg [dreg:$0xa]  }
.LBB2_1:
0x1f: {  	[dreg:$0x7] =	wrdreg s25  }
0x20: {  	s0 =	rddreg [dreg:$0x4];
	s25 =	simm.s32 $0x5  }
0x21: {  	[tilespmem:s4], [sflag:$0x5] =	stream.linear.gather [hbm4b:s0+s4], $0x140, $0x38;
	[tilespmem:$0x18180] =	vst v63  }
0x22: {  	_ =	swait.ge [sflag:s25], $0x140  }
0x23: {  	[sflag:s25] =	ssyncset.done $0x0  }
0x24: {  	[sflag:s25] =	ssyncadd.s32 $0xFFFFFEC0  }
0x25: {  	v2 =	vld.msk [tilespmem:$0x0], $0x1;
	_ =	sdelay $0x4  }
0x26: {  	v3 =	vshrl.u32 v2, $0x3  }
0x27: {  	v3 =	vmul.u32 $0xC00, v3  }
0x28: {  	v2 =	vand.u32 $0x7, v2  }
0x29: {  	v2 =	vor.u32 v2, v3  }
0x2a: {  	v2 =	vperm.xlane v2, v0;
	_ =	sdelay $0x1  }
0x2b: {  	v2 =	vadd.s32 v1, v2;
	_ =	sdelay $0x4  }
0x2c: {  	[tilespmem:s17], [sflag:$0x1] =	stream.indirect_vreg.gather [hbm4b:s23+s4], $0x80, v2, vm0, $0xb8;
	[tilespmem:$0x18180] =	vst v63  }
0x2d: {  	s29 =	simm.s32 $0x980  }
0x2e: {  	[tilespmem:s29], [sflag:$0x1] =	stream.indirect_vreg.gather [hbm4b:s5+s4], $0x80, v2, vm0, $0xb8;
	[tilespmem:$0x18180] =	vst v63  }
0x2f: {  	s30 =	simm.s32 $0x1180  }
0x30: {  	[tilespmem:s30], [sflag:$0x1] =	stream.indirect_vreg.gather [hbm4b:s6+s4], $0x80, v2, vm0, $0xb8;
	[tilespmem:$0x18180] =	vst v63  }
0x31: {  	s17 =	simm.s32 $0x1980  }
0x32: {  	[tilespmem:s17], [sflag:$0x1] =	stream.indirect_vreg.gather [hbm4b:s7+s4], $0x80, v2, vm0, $0xb8;
	[tilespmem:$0x18180] =	vst v63  }
0x33: {  	s25 =	simm.s32 $0x2180  }
0x34: {  	[tilespmem:s25], [sflag:$0x1] =	stream.indirect_vreg.gather [hbm4b:s8+s4], $0x80, v2, vm0, $0xb8;
	[tilespmem:$0x18180] =	vst v63  }
0x35: {  	s29 =	simm.s32 $0x2980  }
0x36: {  	[tilespmem:s29], [sflag:$0x1] =	stream.indirect_vreg.gather [hbm4b:s9+s4], $0x80, v2, vm0, $0xb8;
	[tilespmem:$0x18180] =	vst v63  }
0x37: {  	s30 =	simm.s32 $0x3180  }
0x38: {  	[tilespmem:s30], [sflag:$0x1] =	stream.indirect_vreg.gather [hbm4b:s10+s4], $0x80, v2, vm0, $0xb8;
	[tilespmem:$0x18180] =	vst v63  }
0x39: {  	s17 =	simm.s32 $0x3980  }
0x3a: {  	[tilespmem:s17], [sflag:$0x1] =	stream.indirect_vreg.gather [hbm4b:s11+s4], $0x80, v2, vm0, $0xb8;
	[tilespmem:$0x18180] =	vst v63  }
0x3b: {  	s25 =	simm.s32 $0x4180  }
0x3c: {  	[tilespmem:s25], [sflag:$0x1] =	stream.indirect_vreg.gather [hbm4b:s12+s4], $0x80, v2, vm0, $0xb8;
	[tilespmem:$0x18180] =	vst v63  }
0x3d: {  	s29 =	simm.s32 $0x4980  }
0x3e: {  	[tilespmem:s29], [sflag:$0x1] =	stream.indirect_vreg.gather [hbm4b:s13+s4], $0x80, v2, vm0, $0xb8;
	[tilespmem:$0x18180] =	vst v63  }
0x3f: {  	s30 =	simm.s32 $0x5180  }
0x40: {  	[tilespmem:s30], [sflag:$0x1] =	stream.indirect_vreg.gather [hbm4b:s14+s4], $0x80, v2, vm0, $0xb8;
	[tilespmem:$0x18180] =	vst v63  }
0x41: {  	s17 =	simm.s32 $0x5980  }
0x42: {  	[tilespmem:s17], [sflag:$0x1] =	stream.indirect_vreg.gather [hbm4b:s15+s4], $0x80, v2, vm0, $0xb8;
	[tilespmem:$0x18180] =	vst v63  }
0x43: {  	s25 =	simm.s32 $0x6180  }
0x44: {  	[tilespmem:s25], [sflag:$0x1] =	stream.indirect_vreg.gather [hbm4b:s16+s4], $0x80, v2, vm0, $0xb8;
	[tilespmem:$0x18180] =	vst v63  }
0x45: {  	s29 =	simm.s32 $0x6980  }
0x46: {  	[tilespmem:s29], [sflag:$0x1] =	stream.indirect_vreg.gather [hbm4b:s20+s4], $0x80, v2, vm0, $0xb8;
	[tilespmem:$0x18180] =	vst v63  }
0x47: {  	s30 =	simm.s32 $0x7180  }
0x48: {  	[tilespmem:s30], [sflag:$0x1] =	stream.indirect_vreg.gather [hbm4b:s21+s4], $0x80, v2, vm0, $0xb8;
	[tilespmem:$0x18180] =	vst v63  }
0x49: {  	s17 =	simm.s32 $0x7980  }
0x4a: {  	[tilespmem:s17], [sflag:$0x1] =	stream.indirect_vreg.gather [hbm4b:s22+s4], $0x80, v2, vm0, $0xb8;
	[tilespmem:$0x18180] =	vst v63  }
0x4b: {  	s25 =	simm.s32 $0x8180  }
0x4c: {  	[tilespmem:s25], [sflag:$0x1] =	stream.indirect_vreg.gather [hbm4b:s24+s4], $0x80, v2, vm0, $0xb8;
	[tilespmem:$0x18180] =	vst v63  }
0x4d: {  	s31 =	smov.u32 s21;
	s29 =	simm.s32 $0x8980  }
0x4e: {  	[tilespmem:s29], [sflag:$0x1] =	stream.indirect_vreg.gather [hbm4b:s3+s4], $0x80, v2, vm0, $0xb8;
	[tilespmem:$0x18180] =	vst v63  }
0x4f: {  	s0 =	simm.s32 $0x10;
	s30 =	simm.s32 $0x9180;
	s17 =	simm.s32 $0x9980  }
0x50: {  	[tilespmem:s30], [sflag:$0x1] =	stream.indirect_vreg.gather [hbm4b:s1+s4], $0x80, v2, vm0, $0xb8;
	[tilespmem:$0x18180] =	vst v63  }
0x51: {  	s24 =	simm.s32 $0xA180;
	s25 =	simm.s32 $0xA980;
	s29 =	simm.s32 $0xB180  }
0x52: {  	[tilespmem:s17], [sflag:$0x1] =	stream.indirect_vreg.gather [hbm4b:s18+s4], $0x80, v2, vm0, $0xb8;
	[tilespmem:$0x18180] =	vst v63  }
0x53: {  	s30 =	simm.s32 $0xB980;
	s18 =	smov.u32 s15;
	s15 =	smov.u32 s12  }
0x54: {  	s12 =	smov.u32 s9;
	s9 =	smov.u32 s6;
	s6 =	smov.u32 s23  }
0x55: {  	[tilespmem:s24], [sflag:$0x1] =	stream.indirect_vreg.gather [hbm4b:s19+s4], $0x80, v2, vm0, $0xb8;
	[tilespmem:$0x18180] =	vst v63  }
0x56: {  	s24 =	smov.u32 s14;
	s14 =	smov.u32 s11;
	s11 =	smov.u32 s8  }
0x57: {  	s8 =	smov.u32 s5;
	s5 =	rddreg [dreg:$0x5];
	s19 =	smov.u32 s16  }
0x58: {  	[tilespmem:s25], [sflag:$0x1] =	stream.indirect_vreg.gather [hbm4b:s26+s4], $0x80, v2, vm0, $0xb8;
	[tilespmem:$0x18180] =	vst v63  }
0x59: {  	s16 =	smov.u32 s13;
	s13 =	smov.u32 s10;
	s10 =	smov.u32 s7  }
0x5a: {  	[tilespmem:s29], [sflag:$0x1] =	stream.indirect_vreg.gather [hbm4b:s28+s4], $0x80, v2, vm0, $0xb8;
	[tilespmem:$0x18180] =	vst v63  }
0x5b: {  	s25 =	simm.s32 $0x0;
	s26 =	smov.u32 s1;
	s28 =	simm.s32 $0x180  }
0x5c: {  	[tilespmem:s30], [sflag:$0x1] =	stream.indirect_vreg.gather [hbm4b:s2+s4], $0x80, v2, vm0, $0xb8;
	[tilespmem:$0x18180] =	vst v63  }
.LBB2_2:
0x5d: {  	s23 =	sshrl.u32 s5, $0x3;
	s7 =	simm.s32 $0x1  }
0x5e: {  	s23 =	smul.u32 $0x60000, s23;
	_ =	swait.ge [sflag:s7], $0xC000  }
0x5f: {  	s1 =	sand.u32 $0x300, s25;
	[sflag:s7] =	ssyncset.done $0x0  }
0x60: {  	s1 =	sor.u32 s1, s23;
	[sflag:s7] =	ssyncadd.s32 $0xFFFF4000  }
0x61: {  	s17 =	simm.s32 $0x80;
	s1 =	sshrl.u32 s1, $0x3;
	s7 =	rddreg [dreg:$0x2]  }
0x62: {  	s2 =	simm.s32 $0x400;
	p0 =	seq.s32 s25, $0x0;
	s1 =	sadd.s32 s7, s1  }
0x63: {  	[hbm4b:s1+s17] =	stream.strided.scatter [tilespmem:s28], [sflag:$0x3], $0xC000, s2, s17, $0x38;
	[tilespmem:$0x18180] =	vst v63  }
0x64: {  	s1 =	simm.s32 @!p0 $0x4  }
0x65: {  	_ =	swait.ge @!p0 [sflag:s1], $0xC000  }
0x66: {  	[sflag:s1] =	ssyncset.done @!p0 $0x0  }
0x67: {  	[sflag:s1] =	ssyncadd.s32 @!p0 $0xFFFF4000  }
0x68: {  	v2 =	vld.msk [tilespmem:s0+$0xFFFFFFF8], $0x1;
	_ =	sdelay $0x4  }
0x69: {  	v3 =	vshrl.u32 v2, $0x3  }
0x6a: {  	v3 =	vmul.u32 $0xC00, v3  }
0x6b: {  	v2 =	vand.u32 $0x7, v2  }
0x6c: {  	v2 =	vor.u32 v2, v3  }
0x6d: {  	v2 =	vperm.xlane v2, v0;
	_ =	sdelay $0x1  }
0x6e: {  	v2 =	vadd.s32 v1, v2;
	_ =	sdelay $0x3  }
0x6f: {  	s28 =	simm.s32 $0xC180  }
0x70: {  	[tilespmem:s28], [sflag:$0x2] =	stream.indirect_vreg.gather [hbm4b:s6+s4], $0x80, v2, vm0, $0xb8;
	[tilespmem:$0x18180] =	vst v63  }
0x71: {  	s21 =	simm.s32 $0xC980  }
0x72: {  	[tilespmem:s21], [sflag:$0x2] =	stream.indirect_vreg.gather [hbm4b:s8+s4], $0x80, v2, vm0, $0xb8;
	[tilespmem:$0x18180] =	vst v63  }
0x73: {  	s21 =	simm.s32 $0xD180  }
0x74: {  	[tilespmem:s21], [sflag:$0x2] =	stream.indirect_vreg.gather [hbm4b:s9+s4], $0x80, v2, vm0, $0xb8;
	[tilespmem:$0x18180] =	vst v63  }
0x75: {  	s21 =	simm.s32 $0xD980  }
0x76: {  	[tilespmem:s21], [sflag:$0x2] =	stream.indirect_vreg.gather [hbm4b:s10+s4], $0x80, v2, vm0, $0xb8;
	[tilespmem:$0x18180] =	vst v63  }
0x77: {  	s21 =	simm.s32 $0xE180  }
0x78: {  	[tilespmem:s21], [sflag:$0x2] =	stream.indirect_vreg.gather [hbm4b:s11+s4], $0x80, v2, vm0, $0xb8;
	[tilespmem:$0x18180] =	vst v63  }
0x79: {  	s21 =	simm.s32 $0xE980  }
0x7a: {  	[tilespmem:s21], [sflag:$0x2] =	stream.indirect_vreg.gather [hbm4b:s12+s4], $0x80, v2, vm0, $0xb8;
	[tilespmem:$0x18180] =	vst v63  }
0x7b: {  	s21 =	simm.s32 $0xF180  }
0x7c: {  	[tilespmem:s21], [sflag:$0x2] =	stream.indirect_vreg.gather [hbm4b:s13+s4], $0x80, v2, vm0, $0xb8;
	[tilespmem:$0x18180] =	vst v63  }
0x7d: {  	s21 =	simm.s32 $0xF980  }
0x7e: {  	[tilespmem:s21], [sflag:$0x2] =	stream.indirect_vreg.gather [hbm4b:s14+s4], $0x80, v2, vm0, $0xb8;
	[tilespmem:$0x18180] =	vst v63  }
0x7f: {  	s21 =	simm.s32 $0x10180  }
0x80: {  	[tilespmem:s21], [sflag:$0x2] =	stream.indirect_vreg.gather [hbm4b:s15+s4], $0x80, v2, vm0, $0xb8;
	[tilespmem:$0x18180] =	vst v63  }
0x81: {  	s21 =	simm.s32 $0x10980  }
0x82: {  	[tilespmem:s21], [sflag:$0x2] =	stream.indirect_vreg.gather [hbm4b:s16+s4], $0x80, v2, vm0, $0xb8;
	[tilespmem:$0x18180] =	vst v63  }
0x83: {  	s21 =	simm.s32 $0x11180  }
0x84: {  	[tilespmem:s21], [sflag:$0x2] =	stream.indirect_vreg.gather [hbm4b:s24+s4], $0x80, v2, vm0, $0xb8;
	[tilespmem:$0x18180] =	vst v63  }
0x85: {  	s21 =	simm.s32 $0x11980  }
0x86: {  	[tilespmem:s21], [sflag:$0x2] =	stream.indirect_vreg.gather [hbm4b:s18+s4], $0x80, v2, vm0, $0xb8;
	[tilespmem:$0x18180] =	vst v63  }
0x87: {  	s21 =	simm.s32 $0x12180  }
0x88: {  	[tilespmem:s21], [sflag:$0x2] =	stream.indirect_vreg.gather [hbm4b:s19+s4], $0x80, v2, vm0, $0xb8;
	[tilespmem:$0x18180] =	vst v63  }
0x89: {  	s21 =	simm.s32 $0x12980  }
0x8a: {  	[tilespmem:s21], [sflag:$0x2] =	stream.indirect_vreg.gather [hbm4b:s20+s4], $0x80, v2, vm0, $0xb8;
	[tilespmem:$0x18180] =	vst v63  }
0x8b: {  	s1 =	simm.s32 $0x13180  }
0x8c: {  	[tilespmem:s1], [sflag:$0x2] =	stream.indirect_vreg.gather [hbm4b:s31+s4], $0x80, v2, vm0, $0xb8;
	[tilespmem:$0x18180] =	vst v63  }
0x8d: {  	s21 =	smov.u32 s31;
	s31 =	simm.s32 $0x13980  }
0x8e: {  	[tilespmem:s31], [sflag:$0x2] =	stream.indirect_vreg.gather [hbm4b:s22+s4], $0x80, v2, vm0, $0xb8;
	[tilespmem:$0x18180] =	vst v63  }
0x8f: {  	s29 =	rddreg [dreg:$0xd];
	s31 =	simm.s32 $0x14180  }
0x90: {  	[tilespmem:s31], [sflag:$0x2] =	stream.indirect_vreg.gather [hbm4b:s29+s4], $0x80, v2, vm0, $0xb8;
	[tilespmem:$0x18180] =	vst v63  }
0x91: {  	s31 =	simm.s32 $0x14980  }
0x92: {  	[tilespmem:s31], [sflag:$0x2] =	stream.indirect_vreg.gather [hbm4b:s3+s4], $0x80, v2, vm0, $0xb8;
	[tilespmem:$0x18180] =	vst v63  }
0x93: {  	s31 =	simm.s32 $0x15180  }
0x94: {  	[tilespmem:s31], [sflag:$0x2] =	stream.indirect_vreg.gather [hbm4b:s26+s4], $0x80, v2, vm0, $0xb8;
	[tilespmem:$0x18180] =	vst v63  }
0x95: {  	s29 =	rddreg [dreg:$0x8];
	s31 =	simm.s32 $0x15980  }
0x96: {  	[tilespmem:s31], [sflag:$0x2] =	stream.indirect_vreg.gather [hbm4b:s29+s4], $0x80, v2, vm0, $0xb8;
	[tilespmem:$0x18180] =	vst v63  }
0x97: {  	s31 =	simm.s32 $0x16180;
	s29 =	rddreg [dreg:$0x9]  }
0x98: {  	[tilespmem:s31], [sflag:$0x2] =	stream.indirect_vreg.gather [hbm4b:s29+s4], $0x80, v2, vm0, $0xb8;
	[tilespmem:$0x18180] =	vst v63  }
0x99: {  	s30 =	rddreg [dreg:$0xa];
	s31 =	simm.s32 $0x16980  }
0x9a: {  	[tilespmem:s31], [sflag:$0x2] =	stream.indirect_vreg.gather [hbm4b:s30+s4], $0x80, v2, vm0, $0xb8;
	[tilespmem:$0x18180] =	vst v63  }
0x9b: {  	s31 =	simm.s32 $0x17180;
	s30 =	rddreg [dreg:$0xb]  }
0x9c: {  	[tilespmem:s31], [sflag:$0x2] =	stream.indirect_vreg.gather [hbm4b:s30+s4], $0x80, v2, vm0, $0xb8;
	[tilespmem:$0x18180] =	vst v63  }
0x9d: {  	s1 =	simm.s32 $0x17980;
	s31 =	rddreg [dreg:$0xc]  }
0x9e: {  	[tilespmem:s1], [sflag:$0x2] =	stream.indirect_vreg.gather [hbm4b:s31+s4], $0x80, v2, vm0, $0xb8;
	[tilespmem:$0x18180] =	vst v63  }
0x9f: {  	s31 =	sadd.s32 $0x80, s25  }
0xa0: {  	s1 =	sand.u32 $0x380, s31;
	s31 =	simm.s32 $0x2  }
0xa1: {  	_ =	swait.ge [sflag:s31], $0xC000  }
0xa2: {  	s1 =	sor.u32 s1, s23;
	[sflag:s31] =	ssyncset.done $0x0  }
0xa3: {  	p0 =	seq.s32 s25, $0x1300;
	s1 =	sshrl.u32 s1, $0x3;
	[sflag:s31] =	ssyncadd.s32 $0xFFFF4000  }
.Ltmp2:
0xa4: {  	s1 =	sadd.s32 s7, s1;
	s31 =	simm.s32 $0x3;
	(pc) =	sbr.rel @p0 .LBB2_4-.Ltmp2, $4  }
0xa5: {  	[hbm4b:s1+s17] =	stream.strided.scatter [tilespmem:s28], [sflag:$0x4], $0xC000, s2, s17, $0x38;
	[tilespmem:$0x18180] =	vst v63  }
0xa6: {  	_ =	swait.ge [sflag:s31], $0xC000  }
0xa7: {  	[sflag:s31] =	ssyncset.done $0x0  }
0xa8: {  	[sflag:s31] =	ssyncadd.s32 $0xFFFF4000  }
0xa9: {  	v2 =	vld.msk [tilespmem:s0+$0x0], $0x1;
	_ =	sdelay $0x4  }
0xaa: {  	v3 =	vshrl.u32 v2, $0x3  }
0xab: {  	v3 =	vmul.u32 $0xC00, v3  }
0xac: {  	v2 =	vand.u32 $0x7, v2  }
0xad: {  	v2 =	vor.u32 v2, v3  }
0xae: {  	v2 =	vperm.xlane v2, v0;
	_ =	sdelay $0x1  }
0xaf: {  	v2 =	vadd.s32 v1, v2;
	_ =	sdelay $0x3  }
0xb0: {  	s28 =	simm.s32 $0x180  }
0xb1: {  	[tilespmem:s28], [sflag:$0x1] =	stream.indirect_vreg.gather [hbm4b:s6+s4], $0x80, v2, vm0, $0xb8;
	[tilespmem:$0x18180] =	vst v63  }
0xb2: {  	s1 =	simm.s32 $0x980  }
0xb3: {  	[tilespmem:s1], [sflag:$0x1] =	stream.indirect_vreg.gather [hbm4b:s8+s4], $0x80, v2, vm0, $0xb8;
	[tilespmem:$0x18180] =	vst v63  }
0xb4: {  	s17 =	simm.s32 $0x1180  }
0xb5: {  	[tilespmem:s17], [sflag:$0x1] =	stream.indirect_vreg.gather [hbm4b:s9+s4], $0x80, v2, vm0, $0xb8;
	[tilespmem:$0x18180] =	vst v63  }
0xb6: {  	s23 =	simm.s32 $0x1980  }
0xb7: {  	[tilespmem:s23], [sflag:$0x1] =	stream.indirect_vreg.gather [hbm4b:s10+s4], $0x80, v2, vm0, $0xb8;
	[tilespmem:$0x18180] =	vst v63  }
0xb8: {  	s2 =	simm.s32 $0x2180  }
0xb9: {  	[tilespmem:s2], [sflag:$0x1] =	stream.indirect_vreg.gather [hbm4b:s11+s4], $0x80, v2, vm0, $0xb8;
	[tilespmem:$0x18180] =	vst v63  }
0xba: {  	s7 =	simm.s32 $0x2980  }
0xbb: {  	[tilespmem:s7], [sflag:$0x1] =	stream.indirect_vreg.gather [hbm4b:s12+s4], $0x80, v2, vm0, $0xb8;
	[tilespmem:$0x18180] =	vst v63  }
0xbc: {  	s17 =	simm.s32 $0x3180  }
0xbd: {  	[tilespmem:s17], [sflag:$0x1] =	stream.indirect_vreg.gather [hbm4b:s13+s4], $0x80, v2, vm0, $0xb8;
	[tilespmem:$0x18180] =	vst v63  }
0xbe: {  	s23 =	simm.s32 $0x3980  }
0xbf: {  	[tilespmem:s23], [sflag:$0x1] =	stream.indirect_vreg.gather [hbm4b:s14+s4], $0x80, v2, vm0, $0xb8;
	[tilespmem:$0x18180] =	vst v63  }
0xc0: {  	s2 =	simm.s32 $0x4180  }
0xc1: {  	[tilespmem:s2], [sflag:$0x1] =	stream.indirect_vreg.gather [hbm4b:s15+s4], $0x80, v2, vm0, $0xb8;
	[tilespmem:$0x18180] =	vst v63  }
0xc2: {  	s7 =	simm.s32 $0x4980  }
0xc3: {  	[tilespmem:s7], [sflag:$0x1] =	stream.indirect_vreg.gather [hbm4b:s16+s4], $0x80, v2, vm0, $0xb8;
	[tilespmem:$0x18180] =	vst v63  }
0xc4: {  	s17 =	simm.s32 $0x5180  }
0xc5: {  	[tilespmem:s17], [sflag:$0x1] =	stream.indirect_vreg.gather [hbm4b:s24+s4], $0x80, v2, vm0, $0xb8;
	[tilespmem:$0x18180] =	vst v63  }
0xc6: {  	s23 =	simm.s32 $0x5980  }
0xc7: {  	[tilespmem:s23], [sflag:$0x1] =	stream.indirect_vreg.gather [hbm4b:s18+s4], $0x80, v2, vm0, $0xb8;
	[tilespmem:$0x18180] =	vst v63  }
0xc8: {  	s2 =	simm.s32 $0x6180  }
0xc9: {  	[tilespmem:s2], [sflag:$0x1] =	stream.indirect_vreg.gather [hbm4b:s19+s4], $0x80, v2, vm0, $0xb8;
	[tilespmem:$0x18180] =	vst v63  }
0xca: {  	s7 =	simm.s32 $0x6980  }
0xcb: {  	[tilespmem:s7], [sflag:$0x1] =	stream.indirect_vreg.gather [hbm4b:s20+s4], $0x80, v2, vm0, $0xb8;
	[tilespmem:$0x18180] =	vst v63  }
0xcc: {  	s17 =	simm.s32 $0x7180  }
0xcd: {  	[tilespmem:s17], [sflag:$0x1] =	stream.indirect_vreg.gather [hbm4b:s21+s4], $0x80, v2, vm0, $0xb8;
	[tilespmem:$0x18180] =	vst v63  }
0xce: {  	s31 =	smov.u32 s21;
	s21 =	simm.s32 $0x7980  }
0xcf: {  	[tilespmem:s21], [sflag:$0x1] =	stream.indirect_vreg.gather [hbm4b:s22+s4], $0x80, v2, vm0, $0xb8;
	[tilespmem:$0x18180] =	vst v63  }
0xd0: {  	s23 =	simm.s32 $0x8180;
	s2 =	rddreg [dreg:$0xd]  }
0xd1: {  	[tilespmem:s23], [sflag:$0x1] =	stream.indirect_vreg.gather [hbm4b:s2+s4], $0x80, v2, vm0, $0xb8;
	[tilespmem:$0x18180] =	vst v63  }
0xd2: {  	s7 =	simm.s32 $0x8980  }
0xd3: {  	[tilespmem:s7], [sflag:$0x1] =	stream.indirect_vreg.gather [hbm4b:s3+s4], $0x80, v2, vm0, $0xb8;
	[tilespmem:$0x18180] =	vst v63  }
0xd4: {  	s17 =	simm.s32 $0x9180  }
0xd5: {  	[tilespmem:s17], [sflag:$0x1] =	stream.indirect_vreg.gather [hbm4b:s26+s4], $0x80, v2, vm0, $0xb8;
	[tilespmem:$0x18180] =	vst v63  }
0xd6: {  	s21 =	simm.s32 $0x9980;
	s23 =	rddreg [dreg:$0x8]  }
0xd7: {  	[tilespmem:s21], [sflag:$0x1] =	stream.indirect_vreg.gather [hbm4b:s23+s4], $0x80, v2, vm0, $0xb8;
	[tilespmem:$0x18180] =	vst v63  }
0xd8: {  	s7 =	simm.s32 $0xA180  }
0xd9: {  	[tilespmem:s7], [sflag:$0x1] =	stream.indirect_vreg.gather [hbm4b:s29+s4], $0x80, v2, vm0, $0xb8;
	[tilespmem:$0x18180] =	vst v63  }
0xda: {  	s17 =	simm.s32 $0xA980;
	s21 =	rddreg [dreg:$0xa]  }
0xdb: {  	[tilespmem:s17], [sflag:$0x1] =	stream.indirect_vreg.gather [hbm4b:s21+s4], $0x80, v2, vm0, $0xb8;
	[tilespmem:$0x18180] =	vst v63  }
.Ltmp3:
0xdc: {  	_ = 	snop;
	(pc) =	sbr.rel .LBB2_2-.Ltmp3, $4  }
0xdd: {  	s25 =	sadd.s32 $0x100, s25;
	s0 =	sadd.s32 $0x10, s0;
	s23 =	simm.s32 $0xB180  }
0xde: {  	[tilespmem:s23], [sflag:$0x1] =	stream.indirect_vreg.gather [hbm4b:s30+s4], $0x80, v2, vm0, $0xb8;
	[tilespmem:$0x18180] =	vst v63  }
0xdf: {  	s5 =	sadd.s32 $0x2, s5;
	s29 =	simm.s32 $0xB980;
	s30 =	rddreg [dreg:$0xc]  }
0xe0: {  	[tilespmem:s29], [sflag:$0x1] =	stream.indirect_vreg.gather [hbm4b:s30+s4], $0x80, v2, vm0, $0xb8;
	[tilespmem:$0x18180] =	vst v63  }
.LBB2_5:
0xe1: {  	_ =	sfence.sel $0x180000  }
0xe2: {  	[bflag:$0x0] =	sbarrier.arrive $0xFFFF  }
0xe3: {  	_ =	strace $0x90000047  }
0xe4: {  	s0 =	stileid.u32;
	[bflag:$0x2] =	sbarrier.arrive $0xFFFF  }
0xe5: {  	p0 =	sne.s32 s0, $0x0;
	s0 =	rddreg [dreg:$0x3]  }
0xe6: {  	s0 =	sadd.s32 @!p0 $0x100000, s0  }
0xe7: {  	[sflag:s0] =	ssyncadd.tile.s32 @!p0 $0x1;
	_ =	shalt  }
.Lfunc_end2:
_tile_overlayer_lowered:
.L_overlay_start_2:
0xe8: {  	(tag) =	ssettag $0x2  }
0xe9: {  	s0 =	rddreg [dreg:$0x0];
	s2 =	stileid.u32  }
0xea: {  	s1 =	rddreg [dreg:$0x1];
	p0 =	sne.s32 s2, $0x0  }
0xeb: {  	s3 =	rddreg [dreg:$0x2];
	[bflag:$0x3] =	sbarrier.arrive $0xFFFF;
	s2 =	simm.s32 @!p0 $0x1C05  }
0xec: {  	[timem:s3], [sflag:s2] =	dma.local @!p0 [hbm:s0], s1  }
0xed: {  	s0 =	simm.s32 @!p0 $0x5  }
0xee: {  	_ =	swait.ge @!p0 [sflag:s0], s1  }
0xef: {  	s1 =	ssub.s32 @!p0 $0x0, s1;
	[sflag:s0] =	ssyncset.done @!p0 $0x0  }
0xf0: {  	[sflag:s0] =	ssyncadd.s32 @!p0 s1  }
0xf1: {  	[bflag:$0x3] =	sbarrier.arrive $0xFFFF  }
0xf2: {  	_ =	shalt  }

// kernel: sparse-core-data-format-call.cloned.1.call-start
scs
called_computation_lowered:
.L_overlay_start_0:
0x0: {  	s2 =	sld [smem:$0x3FD9]  }
0x1: {  	s3 =	sld [smem:$0x3FFE];
	_ =	sdelay $0x1  }
0x2: {  	s1 =	srdreg.scid  }
0x3: {  	s0 =	sand.u32 $0x1, s1  }
0x4: {  	s18 =	sshll.u32 s0, $0xA;
	s2 =	sadd.s32 s3, s2  }
0x5: {  	s2 =	sadd.s32 s2, s18  }
0x6: {  	[smem:$0x3FC6] =	sst s2  }
0x7: {  	_ = 	snop  }
0x8: {  	s2 =	sld [smem:$0x3FD0];
	(tm) =	ssettm $0x1  }
0x9: {  	s19 =	sld [smem:$0x3FFB];
	_ =	sdelay $0x3  }
0xa: {  	_ =	strace s19  }
0xb: {  	s3 =	sld [smem:$0x3FFC];
	_ =	sdelay $0x3  }
0xc: {  	_ =	strace s3  }
0xd: {  	s3 =	sld [smem:$0x3FFD];
	_ =	sdelay $0x3  }
0xe: {  	_ =	strace s3  }
0xf: {  	_ =	strace $0x8FFFFFFF  }
0x10: {  	s20 =	sld [smem:$0x3FDB];
	_ =	sdelay $0x1  }
0x11: {  	s4 =	simm.s32 $_scs_section_size  }
0x12: {  	s5 =	simm.s32 $_size__tile_overlayer_lowered;
	s6 =	simm.s32 $_tile_overlayer_lowered  }
0x13: {  	s23 =	simm.s32 $0x1BFF;
	s22 =	sshll.u32 s6, $0x1;
	s3 =	sadd.s32 s4, s20  }
0x14: {  	s7 =	simm.s32 $0x0;
	s21 =	sshll.u32 s5, $0x1;
	s5 =	sadd.s32 s22, s3  }
0x15: {  	[timem:s7], [sflag:s23] =	dma.local [hbm:s5], s21  }
0x16: {  	_ =	swait.ge [sflag:s23], s21  }
0x17: {  	s4 =	ssub.s32 $0x0, s21;
	[sflag:s23] =	ssyncset.done $0x0  }
0x18: {  	[sflag:s23] =	ssyncadd.s32 s4;
	_ =	sdelay $0x1  }
0x19: {  	s24 =	simm.s32 $0x1B8B  }
0x1a: {  	_ =	swait.ge [sflag:s24], $0x1  }
0x1b: {  	[sflag:s24] =	ssyncset.done $0x0  }
0x1c: {  	s26 =	simm.s32 $0x1B8E;
	s25 =	sld [smem:$0x3FFE];
	[sflag:s24] =	ssyncadd.s32 $0xFFFFFFFF  }
0x1d: {  	s27 =	simm.s32 $execute0_lowered;
	[smem:$0x3FD2] =	sst s26  }
0x1e: {  	s5 =	sshll.u32 s27, $0x1;
	_ =	strace $0x80000049;
	[dreg:$0x1] =	wrdreg $0xFFFFFFFF  }
0x1f: {  	s28 =	simm.s32 $_size_execute0_lowered;
	s3 =	sadd.s32 s3, s5;
	[dreg:$0x0] =	wrdreg $0x0  }
0x20: {  	s5 =	sshll.u32 s28, $0x1;
	[dreg:$0x2] =	wrdreg s3  }
0x21: {  	[dreg:$0x3] =	wrdreg s5  }
0x22: {  	[dreg:$0x4] =	wrdreg $0xC0  }
0x23: {  	_ =	task [dreg:s7], $0x5FFFF  }
0x24: {  	[dreg:$0x1] =	wrdreg $0xFFFFFFFF  }
0x25: {  	[dreg:$0x0] =	wrdreg $0x60  }
0x26: {  	[dreg:$0x2] =	wrdreg s25  }
0x27: {  	[dreg:$0x3] =	wrdreg s2  }
0x28: {  	[dreg:$0x4] =	wrdreg $0x9  }
0x29: {  	_ =	task.clear_ibuf [dreg:s7], $0x5FFFF;
	_ =	strace $0x90000049  }
0x2a: {  	s29 =	simm.s32 $0x9;
	_ =	strace $0x8000004B  }
0x2b: {  	_ =	swait.ge [sflag:s29], $0x1  }
0x2c: {  	[sflag:s29] =	ssyncadd.s32 $0xFFFFFFFF  }
0x2d: {  	_ =	strace $0x9000004B  }
0x2e: {  	_ =	sfence  }
0x2f: {  	s30 =	sld [smem:$0x0];
	_ =	sdelay $0x2  }
0x30: {  	s31 =	sshll.u32 s1, $0xD;
	s1 =	sshrl.u32 s1, $0x2  }
0x31: {  	s3 =	sand.u32 $0x4000, s31;
	s1 =	sadd.s32 s1, s30  }
0x32: {  	s0 =	sor.u32 s3, s0;
	s1 =	sshll.u32 s1, $0x11  }
0x33: {  	s0 =	sor.u32 s1, s0  }
0x34: {  	s0 =	sadd.s32 $0x8F2B, s0  }
0x35: {  	[sflag:s0] =	ssyncadd.remote.s32 $0x1  }
0x36: {  	_ =	sfence.sel $0xFFFF  }
0x37: {  	[dreg:$0x0] =	wrdreg $0xFFFFFFFF;
	(pc) =	sbr.abs _section_cstart, $3  }
0x38: {  	[dreg:$0x1] =	wrdreg $0xFFFFFFFF  }
0x39: {  	_ =	task.clear_ibuf [dreg:s7], $0x2FFFF;
	_ =	strace $0x9FFFFFFF  }
0x3a: {  	(tm) =	ssettm $0x7FFFFFFF  }
0x3b: {  	_ =	shalt  }
tec
execute0_lowered:
.L_overlay_start_1:
0x0: {  	(tag) =	ssettag $0x1  }
0x1: {  	s0 =	srdreg.scid  }
0x2: {  	s1 =	sshll.u32 s0, $0x4  }
0x3: {  	s0 =	stileid.u32;
	s1 =	sand.u32 $0x10, s1  }
0x4: {  	s6 =	rddreg [dreg:$0x0];
	s1 =	sor.u32 s0, s1  }
0x5: {  	s4 =	simm.s32 $0x1;
	s7 =	simm.s32 $0x2;
	s2 =	sshll.u32 s1, $0x7  }
0x6: {  	s14 =	simm.s32 $0x0;
	s8 =	simm.s32 $0x60000;
	s1 =	ssub.s32 $0xC000, s2  }
0x7: {  	s13 =	simm.s32 $0x0;
	s15 =	simm.s32 $0x0;
	s3 =	sand.u32 $0xF80, s1  }
0x8: {  	s10 =	simm.s32 $0x0;
	s5 =	sshrl.u32 s1, $0xC;
	p0 =	sne.s32 s3, $0x0  }
.Ltmp0:
0x9: {  	s1 =	rddreg [dreg:$0x2];
	s4 =	simm.s32 @!p0 $0x0;
	(pc) =	sbr.rel .LBB1_1-.Ltmp0, $4  }
0xa: {  	s11 =	simm.s32 $0x0;
	s3 =	rddreg [dreg:$0x1];
	s5 =	sadd.s32 s4, s5  }
0xb: {  	_ =	strace $0x8000004A;
	s4 =	simm.s32 $0x1;
	s5 =	smul.u32 $0xA, s5  }
0xc: {  	s12 =	simm.s32 $0x0;
	s6 =	sadd.s32 $0x800, s6;
	[sflag:s4] =	ssyncpa.u1 $0x0  }
0xd: {  	s9 =	smov.u32 s2;
	[sflag:s7] =	ssyncpa.u1 $0x0;
	s7 =	sor.u32 $0x1, s5  }
.LBB1_7:
0xe: {  	s16 =	sadd.s32 $0x1000, s9  }
0xf: {  	s13 =	sadd.s32 $0x2, s10;
	s17 =	smov.u32 s10;
	p1 =	sgt.s32 s16, $0xBFFF  }
0x10: {  	s17 =	smov.u32 @p1 s13  }
0x11: {  	s19 =	smov.u32 s11;
	s13 =	sadd.s32 $0x40, s11;
	p2 =	sgt.s32 s17, $0x13  }
0x12: {  	s19 =	smov.u32 @p2 s13  }
0x13: {  	s16 =	smov.u32 @p1 s2;
	p1 =	sgt.s32 s19, $0x3F  }
0x14: {  	p0 =	slt.u32 s12, $0x2;
	s19 =	simm.s32 @p1 $0x0;
	p1 =	sne.s32 s12, s7  }
.Ltmp1:
0x15: {  	s18 =	simm.s32 @!p0 $0x2;
	(pc) =	sbr.rel @!p1 .LBB1_8-.Ltmp1, $4  }
0x16: {  	s14 =	smov.u32 s9;
	_ =	swait.ge @!p0 [sflag:s18], $0x4000  }
0x17: {  	s15 =	smov.u32 s11;
	[sflag:s18] =	ssyncset.done @!p0 $0x0;
	s9 =	smov.u32 s16  }
0x18: {  	s17 =	simm.s32 @p2 $0x0;
	s13 =	smov.u32 s10;
	[sflag:s18] =	ssyncadd.s32 @!p0 $0xFFFFC000  }
0x19: {  	s10 =	smov.u32 s17;
	s12 =	sadd.s32 $0x1, s12;
	s11 =	smov.u32 s19  }
.LBB1_1:
0x1a: {  	p0 =	sge.u32 s12, s5  }
0x1b: {  	s16 =	sshrl.u32 @!p0 s10, $0x3  }
0x1c: {  	s17 =	sshll.u32 @!p0 s9, $0x3;
	s16 =	smul.u32 @!p0 $0x60000, s16  }
0x1d: {  	s18 =	sshll.u32 @!p0 s10, $0x7;
	s17 =	sand.u32 @!p0 $0xFFFFFC00, s17  }
0x1e: {  	s19 =	sand.u32 @!p0 $0x7F, s9;
	s16 =	sadd.s32 @!p0 s16, s17;
	s17 =	sand.u32 @!p0 $0x380, s18  }
0x1f: {  	s17 =	sor.u32 @!p0 s19, s17;
	s18 =	smulhi.u32 @!p0 $0xAAAAAAAB, s16  }
0x20: {  	s16 =	sor.u32 @!p0 s16, s17  }
0x21: {  	s17 =	smulhi.u32 @!p0 $0xAAAAAAAB, s16;
	s18 =	sshrl.u32 @!p0 s18, $0xF  }
0x22: {  	s19 =	smulhi.u32 @!p0 $0xAAAAAAB, s18;
	_ =	sdelay $0x1  }
0x23: {  	s17 =	sshrl.u32 @!p0 s17, $0xF;
	s19 =	smul.u32 @!p0 $0x18, s19  }
0x24: {  	s31 =	sadd.s32 $0xFFFFFFFF, s12;
	s17 =	smul.u32 @!p0 $0xC000, s17  }
0x25: {  	s20 =	sxor.u32 @!p0 $0xFFFFFFFF, s12;
	s18 =	ssub.s32 @!p0 s18, s19;
	s19 =	smul.u32 @!p0 $0x24000, s11  }
0x26: {  	s20 =	sshll.u32 @!p0 s20, $0xE;
	s16 =	ssub.s32 @!p0 s16, s17;
	s17 =	smul.u32 @!p0 $0x1800, s18  }
0x27: {  	s18 =	sand.u32 @!p0 $0x4000, s20;
	s20 =	sand.u32 @!p0 $0x7, s16;
	s19 =	sadd.s32 @!p0 s6, s19  }
0x28: {  	s16 =	sshrl.u32 @!p0 s16, $0x3;
	s17 =	sadd.s32 @!p0 s17, s19;
	s19 =	sshll.u32 @!p0 s20, $0x12  }
0x29: {  	s16 =	sadd.s32 @!p0 s16, s17;
	s17 =	sor.u32 @!p0 $0x100, s19;
	s19 =	simm.s32 @!p0 $0x120000  }
0x2a: {  	[tilespmem:s18], [sflag:$0x1] =	stream.strided.gather @!p0 [hbm4b:s16+s17], $0x4000, s19, s17, $0x38;
	[tilespmem:$0x10000] =	vst v63  }
0x2b: {  	p0 =	sge.u32 s31, s5  }
.Ltmp2:
0x2c: {  	_ = 	snop;
	(pc) =	sbr.rel @p0 .LBB1_7-.Ltmp2, $1  }
0x2d: {  	_ =	sdelay $0x3  }
0x2e: {  	_ =	swait.ge [sflag:s4], $0x4000;
	s16 =	sshll.u32 s12, $0xE  }
0x2f: {  	[sflag:s4] =	ssyncset.done $0x0;
	s17 =	sand.u32 $0x4000, s16  }
0x30: {  	s18 =	simm.s32 $0x0;
	[sflag:s4] =	ssyncadd.s32 $0xFFFFC000;
	s16 =	sor.u32 $0x8000, s17  }
.LBB1_3:
0x31: {  	s19 =	sshll.u32 s18, $0x8  }
0x32: {  	s19 =	sand.u32 $0x3FFFFF00, s19  }
0x33: {  	s20 =	sshll.u32 s18, $0x7;
	s19 =	sadd.s32 s19, s17  }
0x34: {  	s20 =	sand.u32 $0x3FFFFF80, s20;
	v0 =	vmov s19  }
0x35: {  	s20 =	sadd.s32 s20, s16  }
0x36: {  	p0 =	por $0x1, $0x1;
	v1 =	vmov s20;
	s19 =	simm.s32 $0x0  }
.LBB1_4:
0x37: {  	s20 =	sshll.u32 s19, $0x7  }
0x38: {  	s20 =	sand.u32 $0x3FFFFF80, s20  }
0x39: {  	v2 =	vld.idx.msk [tilespmem:v0+s20+$0x0 ss:$0x1], $0xffff  }
0x3a: {  	v3 =	vld.idx.msk [tilespmem:v0+s20+$0x10 ss:$0x1], $0xffff  }
0x3b: {  	v4 =	vld.idx.msk [tilespmem:v0+s20+$0x20 ss:$0x1], $0xffff  }
0x3c: {  	s31 =	sshll.u32 s19, $0xD;
	v5 =	vld.idx.msk [tilespmem:v0+s20+$0x30 ss:$0x1], $0xffff  }
0x3d: {  	s19 =	sand.u32 $0x3FFFE000, s31;
	v6 =	vld.idx.msk [tilespmem:v0+s20+$0x40 ss:$0x1], $0xffff  }
0x3e: {  	v63 =	vld.idx.msk [tilespmem:v0+s20+$0x70 ss:$0x1], $0xffff;
	[tilespmem:v1+s19+$0x0 ss:$0x1] =	vst.idx.msk $0xffff, v2  }
0x3f: {  	v2 =	vld.idx.msk [tilespmem:v0+s20+$0x50 ss:$0x1], $0xffff;
	[tilespmem:v1+s19+$0x10 ss:$0x1] =	vst.idx.msk $0xffff, v3  }
0x40: {  	p1 =	por p0, p0;
	v3 =	vld.idx.msk [tilespmem:v0+s20+$0x60 ss:$0x1], $0xffff;
	[tilespmem:v1+s19+$0x20 ss:$0x1] =	vst.idx.msk $0xffff, v4  }
.Ltmp3:
0x41: {  	[tilespmem:v1+s19+$0x30 ss:$0x1] =	vst.idx.msk $0xffff, v5;
	(pc) =	sbr.rel @p1 .LBB1_4-.Ltmp3, $4  }
0x42: {  	[tilespmem:v1+s19+$0x40 ss:$0x1] =	vst.idx.msk $0xffff, v6  }
0x43: {  	[tilespmem:v1+s19+$0x70 ss:$0x1] =	vst.idx.msk $0xffff, v63  }
0x44: {  	[tilespmem:v1+s19+$0x50 ss:$0x1] =	vst.idx.msk $0xffff, v2  }
0x45: {  	p0 =	por $0x0, $0x0;
	[tilespmem:v1+s19+$0x60 ss:$0x1] =	vst.idx.msk $0xffff, v3;
	s19 =	simm.s32 $0x1  }
0x46: {  	s18 =	sadd.s32 $0x1, s18  }
0x47: {  	p0 =	sne.s32 s18, $0x40  }
.Ltmp4:
0x48: {  	_ = 	snop;
	(pc) =	sbr.rel @p0 .LBB1_3-.Ltmp4, $1  }
0x49: {  	_ =	sdelay $0x3  }
0x4a: {  	s17 =	sshrl.u32 s15, $0x3  }
0x4b: {  	s18 =	sshll.u32 s14, $0x3;
	s25 =	sshll.u32 s15, $0x7;
	s17 =	smul.u32 $0x60000, s17  }
0x4c: {  	s26 =	sand.u32 $0x7F, s14;
	s18 =	sand.u32 $0xFFFFFC00, s18;
	s15 =	sand.u32 $0x380, s25  }
0x4d: {  	s14 =	sor.u32 s15, s26;
	s17 =	sadd.s32 s17, s18  }
0x4e: {  	s14 =	sor.u32 s17, s14;
	s17 =	smulhi.u32 $0xAAAAAAAB, s17  }
0x4f: {  	s27 =	smulhi.u32 $0xAAAAAAAB, s14;
	_ =	sdelay $0x1  }
0x50: {  	s13 =	smul.u32 $0x60000, s13;
	s17 =	sshrl.u32 s17, $0xF;
	s15 =	sshrl.u32 s27, $0xF  }
0x51: {  	s17 =	sand.u32 $0x3F, s17;
	s15 =	smul.u32 $0xC000, s15  }
0x52: {  	s28 =	smul.u32 $0x1800, s17  }
.Ltmp5:
0x53: {  	s14 =	ssub.s32 s14, s15;
	(pc) =	sbr.rel .LBB1_7-.Ltmp5, $4  }
0x54: {  	s13 =	sadd.s32 s3, s13;
	s29 =	sand.u32 $0x7, s14  }
0x55: {  	s13 =	sadd.s32 s28, s13;
	s14 =	sshrl.u32 s14, $0x3;
	s30 =	sshll.u32 s29, $0x12  }
0x56: {  	s13 =	sadd.s32 s14, s13;
	s31 =	sor.u32 $0x400, s30  }
0x57: {  	[hbm4b:s13+s31] =	stream.strided.scatter [tilespmem:s16], [sflag:$0x2], $0x4000, s8, s31, $0x38;
	[tilespmem:$0x10000] =	vst v63  }
.LBB1_8:
0x58: {  	_ =	sfence.sel $0x180000  }
0x59: {  	s2 =	simm.s32 $0x1;
	[bflag:$0x0] =	sbarrier.arrive $0xFFFF  }
0x5a: {  	s31 =	simm.s32 $0x2;
	[sflag:s2] =	ssyncpa.u1 $0x1  }
0x5b: {  	[sflag:s31] =	ssyncpa.u1 $0x1  }
0x5c: {  	p0 =	sne.s32 s0, $0x0;
	_ =	strace $0x9000004A  }
0x5d: {  	s0 =	sadd.s32 @!p0 $0x100000, s1;
	[bflag:$0x2] =	sbarrier.arrive $0xFFFF  }
0x5e: {  	[sflag:s0] =	ssyncadd.tile.s32 @!p0 $0x1;
	_ =	shalt  }
.Lfunc_end1:
_tile_overlayer_lowered:
.L_overlay_start_2:
0x5f: {  	(tag) =	ssettag $0x2  }
0x60: {  	s0 =	rddreg [dreg:$0x0];
	s2 =	stileid.u32  }
0x61: {  	s1 =	rddreg [dreg:$0x1];
	p0 =	sne.s32 s2, $0x0  }
0x62: {  	s3 =	rddreg [dreg:$0x2];
	[bflag:$0x3] =	sbarrier.arrive $0xFFFF;
	s2 =	simm.s32 @!p0 $0x1C01  }
0x63: {  	[timem:s3], [sflag:s2] =	dma.local @!p0 [hbm:s0], s1  }
0x64: {  	s0 =	simm.s32 @!p0 $0x1  }
0x65: {  	_ =	swait.ge @!p0 [sflag:s0], s1  }
0x66: {  	s1 =	ssub.s32 @!p0 $0x0, s1;
	[sflag:s0] =	ssyncset.done @!p0 $0x0  }
0x67: {  	[sflag:s0] =	ssyncadd.s32 @!p0 s1  }
0x68: {  	[bflag:$0x3] =	sbarrier.arrive $0xFFFF  }
0x69: {  	_ =	shalt  }

</sc_bundles>
